<compile_context>
chip_gen: v7x
topology: tpu7x:2x2x1
jax: 0.10.2.dev20260603
libtpu: 0.0.44.dev20260713+nightly
codegen_flags: <defaults>
</compile_context>

<pallas_src>
import functools
import math

import jax
import jax.numpy as jnp
from jax import lax
from jax.experimental import pallas as pl
from jax.experimental.pallas import tpu as pltpu
from jax.experimental.pallas import tpu_sc as plsc

BS = 2
N_CTX = 2048
N_HEADS = 12
WIDTH = 64
N_TOK = 128
HP = N_HEADS // 2
ROW = 2 * WIDTH

N_ROWS = BS * HP * N_TOK
NW = 32
RPW = N_ROWS // NW


def _sc_gather(qt, kt, vt, idx_all):
    mesh = plsc.VectorSubcoreMesh(core_axis_name="c", subcore_axis_name="s")
    out = jax.ShapeDtypeStruct((N_ROWS, ROW), jnp.float32)

    @functools.partial(
        pl.kernel,
        mesh=mesh,
        out_type=[out, out, out],
        scratch_types=[
            pltpu.VMEM((RPW,), jnp.int32),
            pltpu.VMEM((RPW, ROW), jnp.float32),
            pltpu.VMEM((RPW, ROW), jnp.float32),
            pltpu.VMEM((RPW, ROW), jnp.float32),
            pltpu.SemaphoreType.DMA,
        ],
    )
    def gather(qh, kh, vh, ih, qo, ko, vo, idx_v, qv, kv, vv, sem):
        wid = lax.axis_index("s") * 2 + lax.axis_index("c")
        base = wid * RPW
        pltpu.sync_copy(ih.at[pl.ds(base, RPW)], idx_v)
        cq = pltpu.async_copy(qh.at[idx_v], qv, sem)
        ck = pltpu.async_copy(kh.at[idx_v], kv, sem)
        cv = pltpu.async_copy(vh.at[idx_v], vv, sem)
        cq.wait()
        ck.wait()
        cv.wait()
        pltpu.sync_copy(qv, qo.at[pl.ds(base, RPW)])
        pltpu.sync_copy(kv, ko.at[pl.ds(base, RPW)])
        pltpu.sync_copy(vv, vo.at[pl.ds(base, RPW)])

    return gather(qt, kt, vt, idx_all)


def _attn_body(qr, kr, vr, outr):
    scale = 1.0 / math.sqrt(N_TOK)
    qb = qr[0, 0]
    kb = kr[0, 0]
    vb = vr[0, 0]
    for hp in range(2):
        sl = slice(hp * WIDTH, (hp + 1) * WIDTH)
        q2 = qb[:, sl]
        k2 = kb[:, sl]
        v2 = vb[:, sl]
        qT = q2.T
        d = jnp.abs(k2[:, :, None] - qT[None, :, :])
        a = -scale * jnp.sum(d, axis=1)
        a = a - jnp.max(a, axis=-1, keepdims=True)
        e = jnp.exp(a)
        s = jnp.sum(e, axis=-1, keepdims=True)
        p = e / s
        outr[0, :, 0, hp, :] = jnp.dot(p, v2, preferred_element_type=jnp.float32)


def _tc_attention(qg, kg, vg):
    spec = pl.BlockSpec((1, 1, N_TOK, ROW), lambda b, h: (b, h, 0, 0))
    out_spec = pl.BlockSpec((1, N_TOK, 1, 2, WIDTH), lambda b, h: (b, 0, h, 0, 0))
    return pl.pallas_call(
        _attn_body,
        grid=(BS, HP),
        in_specs=[spec, spec, spec],
        out_specs=out_spec,
        out_shape=jax.ShapeDtypeStruct((BS, N_TOK, HP, 2, WIDTH), jnp.float32),
    )(qg, kg, vg)


def kernel(q, k, v, indx):
    indx = indx.astype(jnp.int32)
    b_off = jnp.arange(BS, dtype=jnp.int32)[:, None, None] * N_CTX
    h_off = jnp.arange(HP, dtype=jnp.int32)[None, :, None]
    idx_all = ((indx[None, None, :] + b_off) * HP + h_off).reshape(-1)

    qt = q.reshape(BS * N_CTX * HP, ROW)
    kt = k.reshape(BS * N_CTX * HP, ROW)
    vt = v.reshape(BS * N_CTX * HP, ROW)

    qo, ko, vo = _sc_gather(qt, kt, vt, idx_all)
    qg = qo.reshape(BS, HP, N_TOK, ROW)
    kg = ko.reshape(BS, HP, N_TOK, ROW)
    vg = vo.reshape(BS, HP, N_TOK, ROW)

    out = _tc_attention(qg, kg, vg)
    return out.reshape(BS, N_TOK, N_HEADS, WIDTH)

# --- scband reference (transcript-rebuilt; emitter-appended) ---
"""Pipeline reference for scband-l1-attn-sparse-54090818126481 (READ-ONLY COPY).

The authoritative reference and input builder live on the scoring server;
editing this copy changes nothing except your own understanding.
"""

import math
import jax, jax.numpy as jnp
import numpy as np


def setup_inputs(seed: int = 0) -> dict:
    key = jax.random.key(seed)
    k0, k1, k2, k3 = jax.random.split(key, 4)
    q = jax.random.normal(k0, (2, 2048, 12, 64), dtype=jnp.float32)
    k = jax.random.normal(k1, (2, 2048, 12, 64), dtype=jnp.float32)
    v = jax.random.normal(k2, (2, 2048, 12, 64), dtype=jnp.float32)
    indx = jax.random.randint(k3, (128,), 0, 2048, dtype=jnp.int64 if jax.config.jax_enable_x64 else jnp.int32)
    return {"q": q, "k": k, "v": v, "indx": indx}


def reference(q, k, v, indx):
    bs, n_ctx, n_heads, width = q.shape
    n_tok = indx.shape[0]
    scale = 1.0 / math.sqrt(n_tok)
    # permute to [bs, n_heads, width, n_ctx] then gather selected tokens
    qq = jnp.transpose(q, (0, 2, 3, 1))[:, :, :, indx]  # [b,h,w,t]
    kk = jnp.transpose(k, (0, 2, 3, 1))[:, :, :, indx]  # [b,h,w,t]
    # qq expanded along -2 (s), kk expanded along -1 (t)
    ww = jnp.abs(qq[:, :, :, None, :] - kk[:, :, :, :, None]) * scale  # [b,h,w,s,t]
    attn = -1.0 * jnp.sum(ww, axis=2)  # [b,h,s,t]
    attn = jax.nn.softmax(attn, axis=-1)
    vv = jnp.einsum('bthw,bhst->bshw', v[:, indx, :, :], attn)  # [b,s,h,w]
    return vv

if __name__ == "__main__":
    import jax
    _d = setup_inputs()
    print(jax.jit(kernel)(*tuple(_d.values())))

</pallas_src>

<mosaic_0001>
#map = affine_map<(d0, d1) -> (0, 0)>
#map1 = affine_map<(d0, d1) -> (0)>
module attributes {stable_mosaic.version = 14 : i64} {
  func.func @gather(%arg0: i32, %arg1: i32, %arg2: memref<24576x128xf32, #tpu.memory_space<hbm>>, %arg3: memref<24576x128xf32, #tpu.memory_space<hbm>>, %arg4: memref<24576x128xf32, #tpu.memory_space<hbm>>, %arg5: memref<1536xi32, #tpu.memory_space<hbm>>, %arg6: memref<1536x128xf32, #tpu.memory_space<hbm>>, %arg7: memref<1536x128xf32, #tpu.memory_space<hbm>>, %arg8: memref<1536x128xf32, #tpu.memory_space<hbm>>, %arg9: memref<48xi32, #tpu.memory_space<vmem>>, %arg10: memref<48x128xf32, #tpu.memory_space<vmem>>, %arg11: memref<48x128xf32, #tpu.memory_space<vmem>>, %arg12: memref<48x128xf32, #tpu.memory_space<vmem>>, %arg13: memref<!tpu.dma_semaphore, #tpu.memory_space<semaphore_mem>>) attributes {dimension_semantics = [#tpu.dimension_semantics<core_parallel>, #tpu.dimension_semantics<subcore_parallel>], iteration_bounds = array<i64: 2, 16>, scalar_prefetch = 0 : i64, scratch_operands = 5 : i64, tpu.core_type = #tpu.core_type<sc_vector_subcore>, window_params = [{transform_indices = #map}, {transform_indices = #map}, {transform_indices = #map}, {transform_indices = #map1}, {transform_indices = #map}, {transform_indices = #map}, {transform_indices = #map}]} {
    %mul3A = arith.constant 2 : i32
    %mul3A_0 = arith.muli %arg1, %mul3A : i32
    %add3A = arith.addi %mul3A_0, %arg0 : i32
    %mul3A_1 = arith.constant 48 : i32
    %mul3A_2 = arith.muli %add3A, %mul3A_1 : i32
    "tpu.region"() ({
      %run_scoped3A = tpu.sem_alloc : memref<!tpu.dma_semaphore, #tpu.memory_space<semaphore_mem>>
      %dma_start3A_19 = tpu.memref_slice %arg5[%mul3A_2] : memref<1536xi32, #tpu.memory_space<hbm>> -> memref<48xi32, #tpu.memory_space<hbm>>
      %dma_start3A_20 = tpu.memref_slice %arg5[%mul3A_2] : memref<1536xi32, #tpu.memory_space<hbm>> -> memref<48xi32, #tpu.memory_space<hbm>>
      tpu.enqueue_dma source(%dma_start3A_20 : memref<48xi32, #tpu.memory_space<hbm>>) target(%arg9 : memref<48xi32, #tpu.memory_space<vmem>>) target_semaphore(%run_scoped3A : memref<!tpu.dma_semaphore, #tpu.memory_space<semaphore_mem>>)
      %dma_wait3A_21 = tpu.memref_slice %arg5[%mul3A_2] : memref<1536xi32, #tpu.memory_space<hbm>> -> memref<48xi32, #tpu.memory_space<hbm>>
      %dma_wait3A_22 = tpu.memref_slice %arg5[%mul3A_2] : memref<1536xi32, #tpu.memory_space<hbm>> -> memref<48xi32, #tpu.memory_space<hbm>>
      tpu.wait_dma2 semaphore(%run_scoped3A : memref<!tpu.dma_semaphore, #tpu.memory_space<semaphore_mem>>) src(%dma_wait3A_22 : memref<48xi32, #tpu.memory_space<hbm>>) dst(%arg9 : memref<48xi32, #tpu.memory_space<vmem>>)
      tpu.yield
    }) : () -> ()
    %dma_start3A = arith.constant 0 : i32
    %dma_start3A_3 = arith.constant 0 : i32
    %dma_start3A_4 = tpu.memref_slice %arg2[%dma_start3A, %dma_start3A_3] : memref<24576x128xf32, #tpu.memory_space<hbm>> -> memref<24576x128xf32, #tpu.memory_space<hbm>>
    tpu.enqueue_indirect_dma source(%dma_start3A_4 : memref<24576x128xf32, #tpu.memory_space<hbm>>) target(%arg10 : memref<48x128xf32, #tpu.memory_space<vmem>>) offsets(%arg9 : memref<48xi32, #tpu.memory_space<vmem>>) semaphore(%arg13 : memref<!tpu.dma_semaphore, #tpu.memory_space<semaphore_mem>>)
    %dma_start3A_5 = arith.constant 0 : i32
    %dma_start3A_6 = arith.constant 0 : i32
    %dma_start3A_7 = tpu.memref_slice %arg3[%dma_start3A_5, %dma_start3A_6] : memref<24576x128xf32, #tpu.memory_space<hbm>> -> memref<24576x128xf32, #tpu.memory_space<hbm>>
    tpu.enqueue_indirect_dma source(%dma_start3A_7 : memref<24576x128xf32, #tpu.memory_space<hbm>>) target(%arg11 : memref<48x128xf32, #tpu.memory_space<vmem>>) offsets(%arg9 : memref<48xi32, #tpu.memory_space<vmem>>) semaphore(%arg13 : memref<!tpu.dma_semaphore, #tpu.memory_space<semaphore_mem>>)
    %dma_start3A_8 = arith.constant 0 : i32
    %dma_start3A_9 = arith.constant 0 : i32
    %dma_start3A_10 = tpu.memref_slice %arg4[%dma_start3A_8, %dma_start3A_9] : memref<24576x128xf32, #tpu.memory_space<hbm>> -> memref<24576x128xf32, #tpu.memory_space<hbm>>
    tpu.enqueue_indirect_dma source(%dma_start3A_10 : memref<24576x128xf32, #tpu.memory_space<hbm>>) target(%arg12 : memref<48x128xf32, #tpu.memory_space<vmem>>) offsets(%arg9 : memref<48xi32, #tpu.memory_space<vmem>>) semaphore(%arg13 : memref<!tpu.dma_semaphore, #tpu.memory_space<semaphore_mem>>)
    %dma_wait3A = arith.constant 0 : i32
    %dma_wait3A_11 = arith.constant 0 : i32
    %dma_wait3A_12 = tpu.memref_slice %arg2[%dma_wait3A, %dma_wait3A_11] : memref<24576x128xf32, #tpu.memory_space<hbm>> -> memref<24576x128xf32, #tpu.memory_space<hbm>>
    tpu.wait_indirect_dma semaphore(%arg13 : memref<!tpu.dma_semaphore, #tpu.memory_space<semaphore_mem>>) src(%dma_wait3A_12 : memref<24576x128xf32, #tpu.memory_space<hbm>>) dst(%arg10 : memref<48x128xf32, #tpu.memory_space<vmem>>)
    %dma_wait3A_13 = arith.constant 0 : i32
    %dma_wait3A_14 = arith.constant 0 : i32
    %dma_wait3A_15 = tpu.memref_slice %arg3[%dma_wait3A_13, %dma_wait3A_14] : memref<24576x128xf32, #tpu.memory_space<hbm>> -> memref<24576x128xf32, #tpu.memory_space<hbm>>
    tpu.wait_indirect_dma semaphore(%arg13 : memref<!tpu.dma_semaphore, #tpu.memory_space<semaphore_mem>>) src(%dma_wait3A_15 : memref<24576x128xf32, #tpu.memory_space<hbm>>) dst(%arg11 : memref<48x128xf32, #tpu.memory_space<vmem>>)
    %dma_wait3A_16 = arith.constant 0 : i32
    %dma_wait3A_17 = arith.constant 0 : i32
    %dma_wait3A_18 = tpu.memref_slice %arg4[%dma_wait3A_16, %dma_wait3A_17] : memref<24576x128xf32, #tpu.memory_space<hbm>> -> memref<24576x128xf32, #tpu.memory_space<hbm>>
    tpu.wait_indirect_dma semaphore(%arg13 : memref<!tpu.dma_semaphore, #tpu.memory_space<semaphore_mem>>) src(%dma_wait3A_18 : memref<24576x128xf32, #tpu.memory_space<hbm>>) dst(%arg12 : memref<48x128xf32, #tpu.memory_space<vmem>>)
    "tpu.region"() ({
      %run_scoped3A = tpu.sem_alloc : memref<!tpu.dma_semaphore, #tpu.memory_space<semaphore_mem>>
      %dma_start3A_19 = arith.constant 0 : i32
      %dma_start3A_20 = tpu.memref_slice %arg6[%mul3A_2, %dma_start3A_19] : memref<1536x128xf32, #tpu.memory_space<hbm>> -> memref<48x128xf32, #tpu.memory_space<hbm>>
      %dma_start3A_21 = arith.constant 0 : i32
      %dma_start3A_22 = tpu.memref_slice %arg6[%mul3A_2, %dma_start3A_21] : memref<1536x128xf32, #tpu.memory_space<hbm>> -> memref<48x128xf32, #tpu.memory_space<hbm>>
      tpu.enqueue_dma source(%arg10 : memref<48x128xf32, #tpu.memory_space<vmem>>) target(%dma_start3A_22 : memref<48x128xf32, #tpu.memory_space<hbm>>) target_semaphore(%run_scoped3A : memref<!tpu.dma_semaphore, #tpu.memory_space<semaphore_mem>>)
      %dma_wait3A_23 = arith.constant 0 : i32
      %dma_wait3A_24 = tpu.memref_slice %arg6[%mul3A_2, %dma_wait3A_23] : memref<1536x128xf32, #tpu.memory_space<hbm>> -> memref<48x128xf32, #tpu.memory_space<hbm>>
      %dma_wait3A_25 = arith.constant 0 : i32
      %dma_wait3A_26 = tpu.memref_slice %arg6[%mul3A_2, %dma_wait3A_25] : memref<1536x128xf32, #tpu.memory_space<hbm>> -> memref<48x128xf32, #tpu.memory_space<hbm>>
      tpu.wait_dma2 semaphore(%run_scoped3A : memref<!tpu.dma_semaphore, #tpu.memory_space<semaphore_mem>>) src(%arg10 : memref<48x128xf32, #tpu.memory_space<vmem>>) dst(%dma_wait3A_26 : memref<48x128xf32, #tpu.memory_space<hbm>>)
      tpu.yield
    }) : () -> ()
    "tpu.region"() ({
      %run_scoped3A = tpu.sem_alloc : memref<!tpu.dma_semaphore, #tpu.memory_space<semaphore_mem>>
      %dma_start3A_19 = arith.constant 0 : i32
      %dma_start3A_20 = tpu.memref_slice %arg7[%mul3A_2, %dma_start3A_19] : memref<1536x128xf32, #tpu.memory_space<hbm>> -> memref<48x128xf32, #tpu.memory_space<hbm>>
      %dma_start3A_21 = arith.constant 0 : i32
      %dma_start3A_22 = tpu.memref_slice %arg7[%mul3A_2, %dma_start3A_21] : memref<1536x128xf32, #tpu.memory_space<hbm>> -> memref<48x128xf32, #tpu.memory_space<hbm>>
      tpu.enqueue_dma source(%arg11 : memref<48x128xf32, #tpu.memory_space<vmem>>) target(%dma_start3A_22 : memref<48x128xf32, #tpu.memory_space<hbm>>) target_semaphore(%run_scoped3A : memref<!tpu.dma_semaphore, #tpu.memory_space<semaphore_mem>>)
      %dma_wait3A_23 = arith.constant 0 : i32
      %dma_wait3A_24 = tpu.memref_slice %arg7[%mul3A_2, %dma_wait3A_23] : memref<1536x128xf32, #tpu.memory_space<hbm>> -> memref<48x128xf32, #tpu.memory_space<hbm>>
      %dma_wait3A_25 = arith.constant 0 : i32
      %dma_wait3A_26 = tpu.memref_slice %arg7[%mul3A_2, %dma_wait3A_25] : memref<1536x128xf32, #tpu.memory_space<hbm>> -> memref<48x128xf32, #tpu.memory_space<hbm>>
      tpu.wait_dma2 semaphore(%run_scoped3A : memref<!tpu.dma_semaphore, #tpu.memory_space<semaphore_mem>>) src(%arg11 : memref<48x128xf32, #tpu.memory_space<vmem>>) dst(%dma_wait3A_26 : memref<48x128xf32, #tpu.memory_space<hbm>>)
      tpu.yield
    }) : () -> ()
    "tpu.region"() ({
      %run_scoped3A = tpu.sem_alloc : memref<!tpu.dma_semaphore, #tpu.memory_space<semaphore_mem>>
      %dma_start3A_19 = arith.constant 0 : i32
      %dma_start3A_20 = tpu.memref_slice %arg8[%mul3A_2, %dma_start3A_19] : memref<1536x128xf32, #tpu.memory_space<hbm>> -> memref<48x128xf32, #tpu.memory_space<hbm>>
      %dma_start3A_21 = arith.constant 0 : i32
      %dma_start3A_22 = tpu.memref_slice %arg8[%mul3A_2, %dma_start3A_21] : memref<1536x128xf32, #tpu.memory_space<hbm>> -> memref<48x128xf32, #tpu.memory_space<hbm>>
      tpu.enqueue_dma source(%arg12 : memref<48x128xf32, #tpu.memory_space<vmem>>) target(%dma_start3A_22 : memref<48x128xf32, #tpu.memory_space<hbm>>) target_semaphore(%run_scoped3A : memref<!tpu.dma_semaphore, #tpu.memory_space<semaphore_mem>>)
      %dma_wait3A_23 = arith.constant 0 : i32
      %dma_wait3A_24 = tpu.memref_slice %arg8[%mul3A_2, %dma_wait3A_23] : memref<1536x128xf32, #tpu.memory_space<hbm>> -> memref<48x128xf32, #tpu.memory_space<hbm>>
      %dma_wait3A_25 = arith.constant 0 : i32
      %dma_wait3A_26 = tpu.memref_slice %arg8[%mul3A_2, %dma_wait3A_25] : memref<1536x128xf32, #tpu.memory_space<hbm>> -> memref<48x128xf32, #tpu.memory_space<hbm>>
      tpu.wait_dma2 semaphore(%run_scoped3A : memref<!tpu.dma_semaphore, #tpu.memory_space<semaphore_mem>>) src(%arg12 : memref<48x128xf32, #tpu.memory_space<vmem>>) dst(%dma_wait3A_26 : memref<48x128xf32, #tpu.memory_space<hbm>>)
      tpu.yield
    }) : () -> ()
    return
  }
}

module attributes {stable_mosaic.version = 14 : i64} {
  func.func @_attn_body(%arg0: i32, %arg1: i32, %arg2: memref<1x1x128x128xf32, #tpu.memory_space<vmem>>, %arg3: memref<1x1x128x128xf32, #tpu.memory_space<vmem>>, %arg4: memref<1x1x128x128xf32, #tpu.memory_space<vmem>>, %arg5: memref<1x128x1x2x64xf32, #tpu.memory_space<vmem>>) attributes {dimension_semantics = [#tpu.dimension_semantics<arbitrary>, #tpu.dimension_semantics<arbitrary>], iteration_bounds = array<i64: 2, 6>, scalar_prefetch = 0 : i64, scratch_operands = 0 : i64, tpu.core_type = #tpu.core_type<tc>, window_params = [{transform_indices = @transform_0, window_bounds = array<i64: 1, 1, 128, 128>}, {transform_indices = @transform_1, window_bounds = array<i64: 1, 1, 128, 128>}, {transform_indices = @transform_2, window_bounds = array<i64: 1, 1, 128, 128>}, {transform_indices = @transform_3, window_bounds = array<i64: 1, 128, 1, 2, 64>}]} {
    %get3A = arith.constant 0 : index
    %get3A_0 = arith.constant 0 : index
    %get3A_1 = arith.constant 0 : index
    %get3A_2 = arith.constant 0 : index
    %get3A_3 = vector.load %arg2[%get3A, %get3A_0, %get3A_1, %get3A_2] : memref<1x1x128x128xf32, #tpu.memory_space<vmem>>, vector<1x1x128x128xf32>
    %get3A_4 = vector.shape_cast %get3A_3 : vector<1x1x128x128xf32> to vector<128x128xf32>
    %get3A_5 = arith.constant 0 : index
    %get3A_6 = arith.constant 0 : index
    %get3A_7 = arith.constant 0 : index
    %get3A_8 = arith.constant 0 : index
    %get3A_9 = vector.load %arg3[%get3A_5, %get3A_6, %get3A_7, %get3A_8] : memref<1x1x128x128xf32, #tpu.memory_space<vmem>>, vector<1x1x128x128xf32>
    %get3A_10 = vector.shape_cast %get3A_9 : vector<1x1x128x128xf32> to vector<128x128xf32>
    %get3A_11 = arith.constant 0 : index
    %get3A_12 = arith.constant 0 : index
    %get3A_13 = arith.constant 0 : index
    %get3A_14 = arith.constant 0 : index
    %get3A_15 = vector.load %arg4[%get3A_11, %get3A_12, %get3A_13, %get3A_14] : memref<1x1x128x128xf32, #tpu.memory_space<vmem>>, vector<1x1x128x128xf32>
    %get3A_16 = vector.shape_cast %get3A_15 : vector<1x1x128x128xf32> to vector<128x128xf32>
    %slice3A = vector.extract_strided_slice %get3A_4 {offsets = [0, 0], sizes = [128, 64], strides = [1, 1]} : vector<128x128xf32> to vector<128x64xf32>
    %slice3A_17 = vector.extract_strided_slice %get3A_10 {offsets = [0, 0], sizes = [128, 64], strides = [1, 1]} : vector<128x128xf32> to vector<128x64xf32>
    %slice3A_18 = vector.extract_strided_slice %get3A_16 {offsets = [0, 0], sizes = [128, 64], strides = [1, 1]} : vector<128x128xf32> to vector<128x64xf32>
    %transpose3A = tpu.transpose %slice3A, [1, 0] : vector<128x64xf32> -> vector<64x128xf32>
    %broadcast_in_dim3A = vector.shape_cast %slice3A_17 : vector<128x64xf32> to vector<128x64x1xf32>
    %broadcast_in_dim3A_19 = vector.shape_cast %transpose3A : vector<64x128xf32> to vector<1x64x128xf32>
    %sub3A = vector.broadcast %broadcast_in_dim3A : vector<128x64x1xf32> to vector<128x64x128xf32>
    %sub3A_20 = vector.broadcast %broadcast_in_dim3A_19 : vector<1x64x128xf32> to vector<128x64x128xf32>
    %sub3A_21 = arith.subf %sub3A, %sub3A_20 : vector<128x64x128xf32>
    %abs3A = math.absf %sub3A_21 : vector<128x64x128xf32>
    %reduce_sum3A = arith.constant dense<0.000000e+00> : vector<128x128xf32>
    %reduce_sum3A_22 = vector.multi_reduction <add>, %abs3A, %reduce_sum3A [1] : vector<128x64x128xf32> to vector<128x128xf32>
    %mul3A = arith.constant -0.0883883461 : f32
    %mul3A_23 = vector.broadcast %mul3A : f32 to vector<128x128xf32>
    %mul3A_24 = arith.mulf %mul3A_23, %reduce_sum3A_22 : vector<128x128xf32>
    %reduce_max3A = arith.constant dense<0xFF800000> : vector<128xf32>
    %reduce_max3A_25 = vector.multi_reduction <maximumf>, %mul3A_24, %reduce_max3A [1] : vector<128x128xf32> to vector<128xf32>
    %broadcast_in_dim3A_26 = vector.shape_cast %reduce_max3A_25 : vector<128xf32> to vector<128x1xf32>
    %sub3A_27 = vector.broadcast %broadcast_in_dim3A_26 : vector<128x1xf32> to vector<128x128xf32>
    %sub3A_28 = arith.subf %mul3A_24, %sub3A_27 : vector<128x128xf32>
    %exp3A = math.exp %sub3A_28 : vector<128x128xf32>
    %reduce_sum3A_29 = arith.constant dense<0.000000e+00> : vector<128xf32>
    %reduce_sum3A_30 = vector.multi_reduction <add>, %exp3A, %reduce_sum3A_29 [1] : vector<128x128xf32> to vector<128xf32>
    %broadcast_in_dim3A_31 = vector.shape_cast %reduce_sum3A_30 : vector<128xf32> to vector<128x1xf32>
    %div3A = vector.broadcast %broadcast_in_dim3A_31 : vector<128x1xf32> to vector<128x128xf32>
    %div3A_32 = arith.divf %exp3A, %div3A : vector<128x128xf32>
    %dot_general3A = arith.constant dense<0.000000e+00> : vector<128x64xf32>
    %dot_general3A_33 = tpu.matmul %div3A_32, %slice3A_18, %dot_general3A {dimension_numbers = #tpu.dot_dimension_numbers<[1], [0], [0], [1], [0, 0, 1, 1], [], []>, transpose_lhs_hint = false} : vector<128x128xf32>, vector<128x64xf32>, vector<128x64xf32> -> vector<128x64xf32>
    %swap3A = arith.constant 0 : index
    %swap3A_34 = arith.constant 0 : index
    %swap3A_35 = arith.constant 0 : index
    %swap3A_36 = arith.constant 0 : index
    %swap3A_37 = arith.constant 0 : index
    %swap3A_38 = vector.load %arg5[%swap3A, %swap3A_34, %swap3A_35, %swap3A_36, %swap3A_37] : memref<1x128x1x2x64xf32, #tpu.memory_space<vmem>>, vector<1x128x1x1x64xf32>
    %swap3A_39 = vector.shape_cast %swap3A_38 : vector<1x128x1x1x64xf32> to vector<128x64xf32>
    %swap3A_40 = vector.shape_cast %dot_general3A_33 : vector<128x64xf32> to vector<1x128x1x1x64xf32>
    tpu.vector_store %arg5[%swap3A, %swap3A_34, %swap3A_35, %swap3A_36, %swap3A_37], %swap3A_40 {strides = array<i32>} : memref<1x128x1x2x64xf32, #tpu.memory_space<vmem>>, vector<1x128x1x1x64xf32>,
    %slice3A_41 = vector.extract_strided_slice %get3A_4 {offsets = [0, 64], sizes = [128, 64], strides = [1, 1]} : vector<128x128xf32> to vector<128x64xf32>
    %slice3A_42 = vector.extract_strided_slice %get3A_10 {offsets = [0, 64], sizes = [128, 64], strides = [1, 1]} : vector<128x128xf32> to vector<128x64xf32>
    %slice3A_43 = vector.extract_strided_slice %get3A_16 {offsets = [0, 64], sizes = [128, 64], strides = [1, 1]} : vector<128x128xf32> to vector<128x64xf32>
    %transpose3A_44 = tpu.transpose %slice3A_41, [1, 0] : vector<128x64xf32> -> vector<64x128xf32>
    %broadcast_in_dim3A_45 = vector.shape_cast %slice3A_42 : vector<128x64xf32> to vector<128x64x1xf32>
    %broadcast_in_dim3A_46 = vector.shape_cast %transpose3A_44 : vector<64x128xf32> to vector<1x64x128xf32>
    %sub3A_47 = vector.broadcast %broadcast_in_dim3A_45 : vector<128x64x1xf32> to vector<128x64x128xf32>
    %sub3A_48 = vector.broadcast %broadcast_in_dim3A_46 : vector<1x64x128xf32> to vector<128x64x128xf32>
    %sub3A_49 = arith.subf %sub3A_47, %sub3A_48 : vector<128x64x128xf32>
    %abs3A_50 = math.absf %sub3A_49 : vector<128x64x128xf32>
    %reduce_sum3A_51 = arith.constant dense<0.000000e+00> : vector<128x128xf32>
    %reduce_sum3A_52 = vector.multi_reduction <add>, %abs3A_50, %reduce_sum3A_51 [1] : vector<128x64x128xf32> to vector<128x128xf32>
    %mul3A_53 = arith.constant -0.0883883461 : f32
    %mul3A_54 = vector.broadcast %mul3A_53 : f32 to vector<128x128xf32>
    %mul3A_55 = arith.mulf %mul3A_54, %reduce_sum3A_52 : vector<128x128xf32>
    %reduce_max3A_56 = arith.constant dense<0xFF800000> : vector<128xf32>
    %reduce_max3A_57 = vector.multi_reduction <maximumf>, %mul3A_55, %reduce_max3A_56 [1] : vector<128x128xf32> to vector<128xf32>
    %broadcast_in_dim3A_58 = vector.shape_cast %reduce_max3A_57 : vector<128xf32> to vector<128x1xf32>
    %sub3A_59 = vector.broadcast %broadcast_in_dim3A_58 : vector<128x1xf32> to vector<128x128xf32>
    %sub3A_60 = arith.subf %mul3A_55, %sub3A_59 : vector<128x128xf32>
    %exp3A_61 = math.exp %sub3A_60 : vector<128x128xf32>
    %reduce_sum3A_62 = arith.constant dense<0.000000e+00> : vector<128xf32>
    %reduce_sum3A_63 = vector.multi_reduction <add>, %exp3A_61, %reduce_sum3A_62 [1] : vector<128x128xf32> to vector<128xf32>
    %broadcast_in_dim3A_64 = vector.shape_cast %reduce_sum3A_63 : vector<128xf32> to vector<128x1xf32>
    %div3A_65 = vector.broadcast %broadcast_in_dim3A_64 : vector<128x1xf32> to vector<128x128xf32>
    %div3A_66 = arith.divf %exp3A_61, %div3A_65 : vector<128x128xf32>
    %dot_general3A_67 = arith.constant dense<0.000000e+00> : vector<128x64xf32>
    %dot_general3A_68 = tpu.matmul %div3A_66, %slice3A_43, %dot_general3A_67 {dimension_numbers = #tpu.dot_dimension_numbers<[1], [0], [0], [1], [0, 0, 1, 1], [], []>, transpose_lhs_hint = false} : vector<128x128xf32>, vector<128x64xf32>, vector<128x64xf32> -> vector<128x64xf32>
    %swap3A_69 = arith.constant 0 : index
    %swap3A_70 = arith.constant 0 : index
    %swap3A_71 = arith.constant 0 : index
    %swap3A_72 = arith.constant 1 : index
    %swap3A_73 = arith.constant 0 : index
    %swap3A_74 = vector.load %arg5[%swap3A_69, %swap3A_70, %swap3A_71, %swap3A_72, %swap3A_73] : memref<1x128x1x2x64xf32, #tpu.memory_space<vmem>>, vector<1x128x1x1x64xf32>
    %swap3A_75 = vector.shape_cast %swap3A_74 : vector<1x128x1x1x64xf32> to vector<128x64xf32>
    %swap3A_76 = vector.shape_cast %dot_general3A_68 : vector<128x64xf32> to vector<1x128x1x1x64xf32>
    tpu.vector_store %arg5[%swap3A_69, %swap3A_70, %swap3A_71, %swap3A_72, %swap3A_73], %swap3A_76 {strides = array<i32>} : memref<1x128x1x2x64xf32, #tpu.memory_space<vmem>>, vector<1x128x1x1x64xf32>,
    return
  }
  func.func @transform_0(%arg0: i32, %arg1: i32) -> (i32, i32, i32, i32) {
    %c0_i32 = arith.constant 0 : i32
    %c0_i32_0 = arith.constant 0 : i32
    %c0_i32_1 = arith.constant 0 : i32
    return %arg0, %arg1, %c0_i32, %c0_i32_0 : i32, i32, i32, i32
  }
  func.func @transform_1(%arg0: i32, %arg1: i32) -> (i32, i32, i32, i32) {
    %c0_i32 = arith.constant 0 : i32
    %c0_i32_0 = arith.constant 0 : i32
    %c0_i32_1 = arith.constant 0 : i32
    return %arg0, %arg1, %c0_i32, %c0_i32_0 : i32, i32, i32, i32
  }
  func.func @transform_2(%arg0: i32, %arg1: i32) -> (i32, i32, i32, i32) {
    %c0_i32 = arith.constant 0 : i32
    %c0_i32_0 = arith.constant 0 : i32
    %c0_i32_1 = arith.constant 0 : i32
    return %arg0, %arg1, %c0_i32, %c0_i32_0 : i32, i32, i32, i32
  }
  func.func @transform_3(%arg0: i32, %arg1: i32) -> (i32, i32, i32, i32, i32) {
    %c0_i32 = arith.constant 0 : i32
    %c0_i32_0 = arith.constant 0 : i32
    %c0_i32_1 = arith.constant 0 : i32
    %c0_i32_2 = arith.constant 0 : i32
    return %arg0, %c0_i32, %arg1, %c0_i32_0, %c0_i32_1 : i32, i32, i32, i32, i32
  }
}

</mosaic_0001>

<sc_bundles>
// kernel: kernel.4.cloned.1.call-start
scs
__scs_entry_jumppad:
0x0: {  	(pc) =	sbr.rel $0x88, $3  }
0x1: {  	(tag) =	ssettag $0x0;
	lr =	simm.s32 $0x1  }
0x2: {  	[smem:$0x3F9D] =	sst lr;
	_ =	strace $0xD0000000  }
0x3: {  	_ = 	snop  }
0x4: {  	_ = 	snop  }
0x5: {  	_ = 	snop  }
0x6: {  	_ = 	snop  }
0x7: {  	_ = 	snop  }
__scs_overlays_trampoline_lowered:
0x8: {  	[smem:$0x3FAC] =	sst s0  }
0x9: {  	[smem:$0x3FAD] =	sst s1  }
0xa: {  	[smem:$0x3FAE] =	sst s2  }
0xb: {  	[smem:$0x3FAF] =	sst s3  }
0xc: {  	[smem:$0x3FB0] =	sst s4  }
0xd: {  	[smem:$0x3FB1] =	sst s5  }
0xe: {  	[smem:$0x3FB2] =	sst s6  }
0xf: {  	[smem:$0x3FB3] =	sst s7  }
0x10: {  	[smem:$0x3FB4] =	sst s8  }
0x11: {  	[smem:$0x3FB5] =	sst s9;
	s0 =	simm.s32 @!p0 $0x0  }
0x12: {  	s1 =	sld [smem:$0x3F9B];
	s0 =	simm.s32 @p0 $0x1  }
0x13: {  	[smem:$0x3FB6] =	sst s0;
	s0 =	simm.s32 @!p1 $0x0  }
0x14: {  	s2 =	sld [smem:$0x3F9A];
	s0 =	simm.s32 @p1 $0x1  }
0x15: {  	[smem:$0x3FB7] =	sst s0;
	s0 =	simm.s32 @!p2 $0x0  }
0x16: {  	s3 =	sld [smem:$0x3FDB];
	s0 =	simm.s32 @p2 $0x1  }
0x17: {  	s4 =	simm.s32 $0x1BF5;
	[smem:$0x3FB9] =	sst s0  }
0x18: {  	s0 =	sld [smem:$0x3F9C];
	_ =	swait.ge [sflag:s4], $0x0  }
0x19: {  	s7 =	sld [smem:$0x3F9D]  }
0x1a: {  	s8 =	sadd.s32 $0xFFFFE003, lr  }
0x1b: {  	s9 =	sadd.s32 $0xFFFFFEF7, lr;
	s5 =	simm.s32 $0xFFFFFFFF;
	p2 =	slt.u32 s8, $0xFFFFF086  }
0x1c: {  	p1 =	slt.u32 s9, $0xF7A;
	s5 =	simm.s32 @!p2 $0x0  }
0x1d: {  	s5 =	simm.s32 @p1 $0x1;
	p0 =	seq.s32 s7, s2  }
0x1e: {  	s7 =	smul.u32 @!p0 $0xF7A, s2;
	p2 =	seq.s32 @!p0 s5, $0x0  }
0x1f: {  	s9 =	smul.u32 $0xF7A, s1;
	s8 =	simm.s32 @!p0 $0x1BF5;
	p2 =	por !p2, p0  }
0x20: {  	[sflag:s8] =	ssyncset.s32 @!p0 $0xFFFFF086;
	s6 =	sadd.s32 @!p0 s3, s7;
	s7 =	simm.s32 @!p0 $0x108  }
0x21: {  	s3 =	sadd.s32 s3, s9;
	s6 =	sadd.s32 @!p0 $0x88, s6;
	s7 =	simm.s32 @p2 $0x1082  }
0x22: {  	[simem:s7], [sflag:s8] =	dma.local @!p0 [hbm:s6], $0xF7A  }
0x23: {  	s9 =	sor.u32 $0xD0000000, s2;
	s6 =	simm.s32 $0x108;
	_ =	swait.ge @!p0 [sflag:s8], $0x0  }
0x24: {  	s3 =	sadd.s32 $0x88, s3;
	s6 =	simm.s32 @!p1 $0x1082;
	[sflag:s4] =	ssyncset.s32 $0xFFFFF086  }
0x25: {  	[simem:s6], [sflag:s4] =	dma.local [hbm:s3], $0xF7A  }
0x26: {  	[smem:$0x3F9D] =	sst s1;
	(tag) =	ssettag s2;
	_ =	strace s9  }
0x27: {  	s1 =	sld [smem:$0x3FAD]  }
0x28: {  	s2 =	sld [smem:$0x3FAE]  }
0x29: {  	s4 =	sld [smem:$0x3FB0]  }
0x2a: {  	p0 =	seq.s32 s5, $0x0;
	s5 =	sld [smem:$0x3FB1]  }
0x2b: {  	s6 =	sld [smem:$0x3FB2]  }
0x2c: {  	s7 =	sld [smem:$0x3FB3]  }
0x2d: {  	s3 =	simm.s32 $0x108;
	s8 =	sld [smem:$0x3FB4]  }
0x2e: {  	s3 =	simm.s32 @!p0 $0x1082;
	s9 =	sld [smem:$0x3FB5]  }
0x2f: {  	lr =	sadd.s32 s0, s3;
	s0 =	sld [smem:$0x3FAC]  }
0x30: {  	s3 =	sld [smem:$0x3FAF]  }
0x31: {  	[smem:$0x3FB8] =	sst s10  }
0x32: {  	s10 =	sld [smem:$0x3FB6];
	_ =	sdelay $0x3  }
0x33: {  	p0 =	seq.s32 s10, $0x1;
	s10 =	sld [smem:$0x3FB8];
	_ =	sdelay $0x3  }
0x34: {  	[smem:$0x3FB8] =	sst s10  }
0x35: {  	s10 =	sld [smem:$0x3FB7];
	_ =	sdelay $0x3  }
0x36: {  	p1 =	seq.s32 s10, $0x1;
	s10 =	sld [smem:$0x3FB8];
	_ =	sdelay $0x3  }
0x37: {  	[smem:$0x3FB8] =	sst s10  }
0x38: {  	s10 =	sld [smem:$0x3FB9]  }
0x39: {  	_ = 	snop;
	(pc) =	sbr.ind lr, $3  }
0x3a: {  	_ = 	snop  }
0x3b: {  	_ = 	snop  }
0x3c: {  	p2 =	seq.s32 s10, $0x1;
	s10 =	sld [smem:$0x3FB8]  }
0x3d: {  	_ =	shalt  }
0x3e: {  	_ =	shalt  }
0x3f: {  	_ =	shalt  }
0x40: {  	_ =	shalt  }
0x41: {  	_ =	shalt  }
0x42: {  	_ =	shalt  }
0x43: {  	_ =	shalt  }
0x44: {  	_ =	shalt  }
0x45: {  	_ =	shalt  }
0x46: {  	_ =	shalt  }
0x47: {  	_ =	shalt  }
0x48: {  	_ =	shalt  }
0x49: {  	_ =	shalt  }
0x4a: {  	_ =	shalt  }
0x4b: {  	_ =	shalt  }
0x4c: {  	_ =	shalt  }
0x4d: {  	_ =	shalt  }
0x4e: {  	_ =	shalt  }
0x4f: {  	_ =	shalt  }
0x50: {  	_ =	shalt  }
0x51: {  	_ =	shalt  }
0x52: {  	_ =	shalt  }
0x53: {  	_ =	shalt  }
0x54: {  	_ =	shalt  }
0x55: {  	_ =	shalt  }
0x56: {  	_ =	shalt  }
0x57: {  	_ =	shalt  }
0x58: {  	_ =	shalt  }
0x59: {  	_ =	shalt  }
0x5a: {  	_ =	shalt  }
0x5b: {  	_ =	shalt  }
0x5c: {  	_ =	shalt  }
0x5d: {  	_ =	shalt  }
0x5e: {  	_ =	shalt  }
0x5f: {  	_ =	shalt  }
0x60: {  	_ =	shalt  }
0x61: {  	_ =	shalt  }
0x62: {  	_ =	shalt  }
0x63: {  	_ =	shalt  }
0x64: {  	_ =	shalt  }
0x65: {  	_ =	shalt  }
0x66: {  	_ =	shalt  }
0x67: {  	_ =	shalt  }
0x68: {  	_ =	shalt  }
0x69: {  	_ =	shalt  }
0x6a: {  	_ =	shalt  }
0x6b: {  	_ =	shalt  }
0x6c: {  	_ =	shalt  }
0x6d: {  	_ =	shalt  }
0x6e: {  	_ =	shalt  }
0x6f: {  	_ =	shalt  }
0x70: {  	_ =	shalt  }
0x71: {  	_ =	shalt  }
0x72: {  	_ =	shalt  }
0x73: {  	_ =	shalt  }
0x74: {  	_ =	shalt  }
0x75: {  	_ =	shalt  }
0x76: {  	_ =	shalt  }
0x77: {  	_ =	shalt  }
0x78: {  	_ =	shalt  }
0x79: {  	_ =	shalt  }
0x7a: {  	_ =	shalt  }
0x7b: {  	_ =	shalt  }
0x7c: {  	_ =	shalt  }
0x7d: {  	_ =	shalt  }
0x7e: {  	_ =	shalt  }
0x7f: {  	_ =	shalt  }
0x80: {  	_ =	shalt  }
0x81: {  	_ =	shalt  }
0x82: {  	_ =	shalt  }
0x83: {  	_ =	shalt  }
0x84: {  	_ =	shalt  }
0x85: {  	_ =	shalt  }
0x86: {  	_ =	shalt  }
0x87: {  	_ =	shalt  }
.Lfunc_end0:
.L_simem_size_0:
called_computation_lowered:
.L_overlay_start_0:
0x88: {  	s2 =	sld [smem:$0x3FD9]  }
0x89: {  	s3 =	sld [smem:$0x3FFE];
	_ =	sdelay $0x1  }
0x8a: {  	s1 =	srdreg.scid  }
0x8b: {  	s0 =	sand.u32 $0x1, s1  }
0x8c: {  	s17 =	sshll.u32 s0, $0xA;
	s2 =	sadd.s32 s3, s2  }
0x8d: {  	s2 =	sadd.s32 s2, s17  }
0x8e: {  	[smem:$0x3FC4] =	sst s2  }
0x8f: {  	_ = 	snop  }
0x90: {  	s2 =	sld [smem:$0x3FD0];
	(tm) =	ssettm $0x1  }
0x91: {  	s18 =	sld [smem:$0x3FFB];
	_ =	sdelay $0x3  }
0x92: {  	_ =	strace s18  }
0x93: {  	s3 =	sld [smem:$0x3FFC];
	_ =	sdelay $0x3  }
0x94: {  	_ =	strace s3  }
0x95: {  	s3 =	sld [smem:$0x3FFD];
	_ =	sdelay $0x3  }
0x96: {  	_ =	strace s3  }
0x97: {  	_ =	strace $0x8FFFFFFF  }
0x98: {  	s19 =	sld [smem:$0x3FDB];
	_ =	sdelay $0x1  }
0x99: {  	s4 =	simm.s32 $_scs_section_size  }
0x9a: {  	s5 =	simm.s32 $_size__tile_overlayer_lowered;
	s6 =	simm.s32 $_tile_overlayer_lowered  }
0x9b: {  	s22 =	simm.s32 $0x1BFF;
	s21 =	sshll.u32 s6, $0x1;
	s3 =	sadd.s32 s4, s19  }
0x9c: {  	s7 =	simm.s32 $0x0;
	s20 =	sshll.u32 s5, $0x1;
	s5 =	sadd.s32 s21, s3  }
0x9d: {  	[timem:s7], [sflag:s22] =	dma.local [hbm:s5], s20  }
0x9e: {  	_ =	swait.ge [sflag:s22], s20  }
0x9f: {  	s4 =	ssub.s32 $0x0, s20;
	[sflag:s22] =	ssyncset.done $0x0  }
0xa0: {  	[sflag:s22] =	ssyncadd.s32 s4;
	_ =	sdelay $0x1  }
0xa1: {  	s23 =	simm.s32 $0x1B8B  }
0xa2: {  	_ =	swait.ge [sflag:s23], $0x1  }
0xa3: {  	[sflag:s23] =	ssyncset.done $0x0  }
0xa4: {  	s25 =	simm.s32 $0x1B8E;
	s24 =	sld [smem:$0x3FFE];
	[sflag:s23] =	ssyncadd.s32 $0xFFFFFFFF  }
0xa5: {  	s26 =	simm.s32 $execute0_lowered;
	[smem:$0x3FD2] =	sst s25  }
0xa6: {  	s5 =	sshll.u32 s26, $0x1;
	_ =	strace $0x80000046;
	[dreg:$0x1] =	wrdreg $0xFFFFFFFF  }
0xa7: {  	s28 =	simm.s32 $_size_execute0_lowered;
	s3 =	sadd.s32 s3, s5;
	[dreg:$0x0] =	wrdreg $0x0  }
0xa8: {  	s5 =	sshll.u32 s28, $0x1;
	[dreg:$0x2] =	wrdreg s3  }
0xa9: {  	[dreg:$0x3] =	wrdreg s5  }
0xaa: {  	[dreg:$0x4] =	wrdreg $0xC0  }
0xab: {  	_ =	task [dreg:s7], $0x5FFFF  }
0xac: {  	[dreg:$0x1] =	wrdreg $0xFFFFFFFF  }
0xad: {  	[dreg:$0x0] =	wrdreg $0x60  }
0xae: {  	[dreg:$0x2] =	wrdreg s24  }
0xaf: {  	[dreg:$0x3] =	wrdreg s2  }
0xb0: {  	[dreg:$0x4] =	wrdreg $0x9  }
0xb1: {  	_ =	task.clear_ibuf [dreg:s7], $0x5FFFF;
	_ =	strace $0x90000046  }
0xb2: {  	s29 =	simm.s32 $0x9;
	_ =	strace $0x80000048  }
0xb3: {  	_ =	swait.ge [sflag:s29], $0x1  }
0xb4: {  	[sflag:s29] =	ssyncadd.s32 $0xFFFFFFFF  }
0xb5: {  	_ =	strace $0x90000048  }
0xb6: {  	_ =	sfence  }
0xb7: {  	s30 =	sld [smem:$0x0];
	_ =	sdelay $0x2  }
0xb8: {  	s31 =	sshll.u32 s1, $0xD;
	s1 =	sshrl.u32 s1, $0x2  }
0xb9: {  	s3 =	sand.u32 $0x4000, s31;
	s1 =	sadd.s32 s1, s30  }
0xba: {  	s0 =	sor.u32 s3, s0;
	s1 =	sshll.u32 s1, $0x11  }
0xbb: {  	s0 =	sor.u32 s1, s0  }
0xbc: {  	s0 =	sadd.s32 $0x8F2B, s0  }
0xbd: {  	[sflag:s0] =	ssyncadd.remote.s32 $0x1  }
0xbe: {  	_ =	sfence.sel $0xFFFF  }
0xbf: {  	[dreg:$0x0] =	wrdreg $0xFFFFFFFF;
	(pc) =	sbr.abs _section_cstart, $3  }
0xc0: {  	[dreg:$0x1] =	wrdreg $0xFFFFFFFF  }
0xc1: {  	_ =	task.clear_ibuf [dreg:s7], $0x2FFFF;
	_ =	strace $0x9FFFFFFF  }
0xc2: {  	(tm) =	ssettm $0x7FFFFFFF  }
0xc3: {  	_ =	shalt  }
tec
execute0_lowered:
.L_overlay_start_1:
0x0: {  	(tag) =	ssettag $0x1  }
0x1: {  	s1 =	srdreg.scid;
	s0 =	stileid.u32  }
0x2: {  	s14 =	sand.u32 $0x1, s1;
	s29 =	sshll.u32 s0, $0x1  }
0x3: {  	s15 =	rddreg [dreg:$0x0];
	s13 =	sor.u32 s14, s29  }
0x4: {  	s16 =	rddreg [dreg:$0x1];
	s3 =	smul.u32 $0x6, s13  }
0x5: {  	s2 =	simm.s32 $0x0;
	s1 =	rddreg [dreg:$0x2]  }
0x6: {  	[smem:$0x7FF] =	sst s2;
	s3 =	sadd.s32 s3, s15  }
0x7: {  	_ =	strace $0x80000047;
	s4 =	sadd.s32 $0x2800, s3;
	s3 =	simm.s32 $0x2  }
0x8: {  	[tilespmem:s2], [sflag:$0x2] =	stream.linear.gather [hbm4b:s4+s2], $0x30, $0x38;
	[tilespmem:$0x4880] =	vst v63  }
0x9: {  	_ =	swait.ge [sflag:s3], $0x30  }
0xa: {  	s6 =	simm.s32 $0x30;
	[sflag:s3] =	ssyncset.done $0x0  }
0xb: {  	s7 =	simm.s32 $0x80;
	s5 =	sadd.s32 $0x1C2800, s15;
	[sflag:s3] =	ssyncadd.s32 $0xFFFFFFD0  }
0xc: {  	[tilespmem:s7], [sflag:$0x1] =	stream.indirect.gather [hbm4b:s5+s6], $0x80, s2, s6, $0xb8;
	[tilespmem:$0x4880] =	vst v63  }
0xd: {  	s9 =	simm.s32 $0x1880;
	s8 =	sadd.s32 $0x102800, s15  }
0xe: {  	[tilespmem:s9], [sflag:$0x1] =	stream.indirect.gather [hbm4b:s8+s6], $0x80, s2, s6, $0xb8;
	[tilespmem:$0x4880] =	vst v63  }
0xf: {  	s11 =	simm.s32 $0x3080;
	s12 =	simm.s32 $0x1;
	s10 =	sadd.s32 $0x162800, s15  }
0x10: {  	[tilespmem:s11], [sflag:$0x1] =	stream.indirect.gather [hbm4b:s10+s6], $0x80, s2, s6, $0xb8;
	[tilespmem:$0x4880] =	vst v63  }
0x11: {  	_ =	swait.ge [sflag:s12], $0x1800  }
0x12: {  	[sflag:s12] =	ssyncset.done $0x0  }
0x13: {  	[sflag:s12] =	ssyncadd.s32 $0xFFFFE800  }
0x14: {  	_ =	swait.ge [sflag:s12], $0x1800  }
0x15: {  	[sflag:s12] =	ssyncset.done $0x0  }
0x16: {  	[sflag:s12] =	ssyncadd.s32 $0xFFFFE800  }
0x17: {  	s17 =	smul.u32 $0x300, s13;
	_ =	swait.ge [sflag:s12], $0x1800  }
0x18: {  	[sflag:s12] =	ssyncset.done $0x0  }
0x19: {  	s30 =	ssub.s32 $0x2, s14;
	s13 =	sadd.s32 s16, s17;
	[sflag:s12] =	ssyncadd.s32 $0xFFFFE800  }
0x1a: {  	[hbm4b:s13+s2] =	stream.linear.scatter [tilespmem:s7], [sflag:$0x2], $0x1800, $0x38;
	[tilespmem:$0x4880] =	vst v63  }
0x1b: {  	s31 =	sshrl.u32 s30, $0x1;
	_ =	swait.ge [sflag:s3], $0x1800  }
0x1c: {  	s15 =	sadd.s32 s17, s15;
	s16 =	ssub.s32 s30, s31;
	[sflag:s3] =	ssyncset.done $0x0  }
0x1d: {  	s14 =	sadd.s32 $0x2A00, s15;
	s16 =	smax.u32 s16, $0x1;
	[sflag:s3] =	ssyncadd.s32 $0xFFFFE800  }
0x1e: {  	[hbm4b:s14+s2] =	stream.linear.scatter [tilespmem:s9], [sflag:$0x2], $0x1800, $0x38;
	[tilespmem:$0x4880] =	vst v63  }
0x1f: {  	p0 =	sne.s32 s16, $0x1;
	_ =	swait.ge [sflag:s3], $0x1800  }
.Ltmp0:
0x20: {  	[sflag:s3] =	ssyncset.done $0x0;
	(pc) =	sbr.rel @!p0 .LBB2_2-.Ltmp0, $4  }
0x21: {  	s15 =	sadd.s32 $0x8A00, s15;
	[sflag:s3] =	ssyncadd.s32 $0xFFFFE800  }
0x22: {  	[hbm4b:s15+s2] =	stream.linear.scatter [tilespmem:s11], [sflag:$0x2], $0x1800, $0x38;
	[tilespmem:$0x4880] =	vst v63  }
0x23: {  	_ =	swait.ge [sflag:s3], $0x1800  }
0x24: {  	s16 =	sadd.s32 $0xFFFFFFFF, s16;
	[sflag:s3] =	ssyncset.done $0x0  }
.LBB2_1:
0x25: {  	p0 =	sne.s32 s16, $0x1;
	s16 =	sadd.s32 $0xFFFFFFFF, s16;
	[sflag:s3] =	ssyncadd.s32 $0xFFFFE800  }
0x26: {  	[tilespmem:s2], [sflag:$0x2] =	stream.linear.gather [hbm4b:s4+s2], $0x30, $0x38;
	[tilespmem:$0x4880] =	vst v63  }
0x27: {  	_ =	swait.ge [sflag:s3], $0x30  }
0x28: {  	[sflag:s3] =	ssyncset.done $0x0  }
0x29: {  	[sflag:s3] =	ssyncadd.s32 $0xFFFFFFD0  }
0x2a: {  	[tilespmem:s7], [sflag:$0x1] =	stream.indirect.gather [hbm4b:s5+s6], $0x80, s2, s6, $0xb8;
	[tilespmem:$0x4880] =	vst v63  }
0x2b: {  	_ = 	snop  }
0x2c: {  	[tilespmem:s9], [sflag:$0x1] =	stream.indirect.gather [hbm4b:s8+s6], $0x80, s2, s6, $0xb8;
	[tilespmem:$0x4880] =	vst v63  }
0x2d: {  	_ = 	snop  }
0x2e: {  	[tilespmem:s11], [sflag:$0x1] =	stream.indirect.gather [hbm4b:s10+s6], $0x80, s2, s6, $0xb8;
	[tilespmem:$0x4880] =	vst v63  }
0x2f: {  	_ =	swait.ge [sflag:s12], $0x1800  }
0x30: {  	[sflag:s12] =	ssyncset.done $0x0  }
0x31: {  	[sflag:s12] =	ssyncadd.s32 $0xFFFFE800  }
0x32: {  	_ =	swait.ge [sflag:s12], $0x1800  }
0x33: {  	[sflag:s12] =	ssyncset.done $0x0  }
0x34: {  	[sflag:s12] =	ssyncadd.s32 $0xFFFFE800  }
0x35: {  	_ =	swait.ge [sflag:s12], $0x1800  }
0x36: {  	[sflag:s12] =	ssyncset.done $0x0  }
0x37: {  	[sflag:s12] =	ssyncadd.s32 $0xFFFFE800  }
0x38: {  	[hbm4b:s13+s2] =	stream.linear.scatter [tilespmem:s7], [sflag:$0x2], $0x1800, $0x38;
	[tilespmem:$0x4880] =	vst v63  }
0x39: {  	_ =	swait.ge [sflag:s3], $0x1800  }
0x3a: {  	[sflag:s3] =	ssyncset.done $0x0  }
0x3b: {  	[sflag:s3] =	ssyncadd.s32 $0xFFFFE800  }
0x3c: {  	[hbm4b:s14+s2] =	stream.linear.scatter [tilespmem:s9], [sflag:$0x2], $0x1800, $0x38;
	[tilespmem:$0x4880] =	vst v63  }
0x3d: {  	_ =	swait.ge [sflag:s3], $0x1800  }
.Ltmp1:
0x3e: {  	[sflag:s3] =	ssyncset.done $0x0;
	(pc) =	sbr.rel @p0 .LBB2_1-.Ltmp1, $4  }
0x3f: {  	[sflag:s3] =	ssyncadd.s32 $0xFFFFE800  }
0x40: {  	[hbm4b:s15+s2] =	stream.linear.scatter [tilespmem:s11], [sflag:$0x2], $0x1800, $0x38;
	[tilespmem:$0x4880] =	vst v63  }
0x41: {  	_ =	swait.ge [sflag:s3], $0x1800  }
0x42: {  	[sflag:s3] =	ssyncset.done $0x0  }
.LBB2_2:
0x43: {  	[sflag:s3] =	ssyncadd.s32 $0xFFFFE800  }
0x44: {  	_ =	sfence.sel $0x180000  }
0x45: {  	[bflag:$0x0] =	sbarrier.arrive $0xFFFF  }
0x46: {  	p0 =	sne.s32 s0, $0x0;
	_ =	strace $0x90000047  }
0x47: {  	s0 =	sadd.s32 @!p0 $0x100000, s1;
	[bflag:$0x2] =	sbarrier.arrive $0xFFFF  }
0x48: {  	[sflag:s0] =	ssyncadd.tile.s32 @!p0 $0x1;
	_ =	shalt  }
.Lfunc_end2:
_tile_overlayer_lowered:
.L_overlay_start_2:
0x49: {  	(tag) =	ssettag $0x2  }
0x4a: {  	s0 =	rddreg [dreg:$0x0];
	s2 =	stileid.u32  }
0x4b: {  	s1 =	rddreg [dreg:$0x1];
	p0 =	sne.s32 s2, $0x0  }
0x4c: {  	s3 =	rddreg [dreg:$0x2];
	[bflag:$0x3] =	sbarrier.arrive $0xFFFF;
	s2 =	simm.s32 @!p0 $0x1C02  }
0x4d: {  	[timem:s3], [sflag:s2] =	dma.local @!p0 [hbm:s0], s1  }
0x4e: {  	s0 =	simm.s32 @!p0 $0x2  }
0x4f: {  	_ =	swait.ge @!p0 [sflag:s0], s1  }
0x50: {  	s1 =	ssub.s32 @!p0 $0x0, s1;
	[sflag:s0] =	ssyncset.done @!p0 $0x0  }
0x51: {  	[sflag:s0] =	ssyncadd.s32 @!p0 s1  }
0x52: {  	[bflag:$0x3] =	sbarrier.arrive $0xFFFF  }
0x53: {  	_ =	shalt  }

</sc_bundles>
